<compile_context>
chip_gen: v7x
topology: tpu7x:2x2x1
jax: 0.10.2.dev20260603
libtpu: 0.0.44.dev20260713+nightly
codegen_flags: <defaults>
</compile_context>

<pallas_src>
import functools

import jax
import jax.numpy as jnp
from jax import lax
from jax.experimental import pallas as pl
from jax.experimental.pallas import tpu as pltpu
from jax.experimental.pallas import tpu_sc as plsc


def _sc_gather_rows(pat, table):
    B = pat.shape[0]
    V, QD = table.shape
    mesh = plsc.VectorSubcoreMesh(core_axis_name="c", subcore_axis_name="s",
                                  num_cores=1)

    @functools.partial(
        pl.kernel,
        mesh=mesh,
        out_type=jax.ShapeDtypeStruct((B, 1, QD), jnp.float32),
        scratch_types=[
            pltpu.VMEM((B,), jnp.int32),
            pltpu.VMEM((B, QD), jnp.float32),
            pltpu.SemaphoreType.DMA,
        ],
    )
    def gather(idx_hbm, table_hbm, out_hbm, idx_v, rows_v, sem):
        wid = lax.axis_index("s")

        @pl.when(wid == 0)
        def _():
            pltpu.sync_copy(idx_hbm, idx_v)
            idx_v[...] = lax.rem(idx_v[...], V)
            pltpu.async_copy(table_hbm.at[idx_v], rows_v, sem).wait()
            pltpu.sync_copy(rows_v, out_hbm.at[:, 0])

    return gather(pat, table)


def _body1(step_ref, x_ref, tpe_ref, spe_ref, o_ref):
    s = step_ref[0]
    td = tpe_ref.shape[1]
    t_row = tpe_ref[s, :]
    o_ref[..., :td] = x_ref[..., :td] + t_row[None, None, None, :]
    o_ref[..., td:] = x_ref[..., td:] + spe_ref[...][None]


def _body2(prev_ref, x_ref, qrow_ref, o_ref):
    del prev_ref
    q = qrow_ref[:, 0, :]
    o_ref[...] = x_ref[...] + q[:, None, None, :]


def kernel(x, temporal_step, sequence_pattern, temporal_pe, spatial_pe, sequence_pe):
    B, H, W, D = x.shape
    SD = spatial_pe.shape[2]
    TD = temporal_pe.shape[1]
    QD = sequence_pe.shape[1]
    TS = TD + SD
    RB = 64
    R = H // RB

    step = jnp.asarray(temporal_step, jnp.int32).reshape(1)
    pat = jnp.asarray(sequence_pattern, jnp.int32)

    grid_spec1 = pltpu.PrefetchScalarGridSpec(
        num_scalar_prefetch=1,
        grid=(R, B),
        in_specs=[
            pl.BlockSpec((1, RB, W, TS), lambda r, b, *_: (b, r, 0, 0)),
            pl.BlockSpec(temporal_pe.shape, lambda r, b, *_: (0, 0)),
            pl.BlockSpec((RB, W, SD), lambda r, b, *_: (r, 0, 0)),
        ],
        out_specs=pl.BlockSpec((1, RB, W, TS), lambda r, b, *_: (b, r, 0, 0)),
    )
    out1 = pl.pallas_call(
        _body1,
        grid_spec=grid_spec1,
        out_shape=jax.ShapeDtypeStruct(x.shape, x.dtype),
        compiler_params=pltpu.CompilerParams(
            dimension_semantics=("parallel", "parallel"),
        ),
    )(step, x, temporal_pe, spatial_pe)

    seq_rows = _sc_gather_rows(pat, sequence_pe)

    qb = TS // QD
    out = pl.pallas_call(
        _body2,
        grid=(R, B),
        in_specs=[
            pl.BlockSpec(memory_space=pl.ANY),
            pl.BlockSpec((1, RB, W, QD), lambda r, b: (b, r, 0, qb)),
            pl.BlockSpec((1, 1, QD), lambda r, b: (b, 0, 0)),
        ],
        out_specs=pl.BlockSpec((1, RB, W, QD), lambda r, b: (b, r, 0, qb)),
        out_shape=jax.ShapeDtypeStruct(x.shape, x.dtype),
        input_output_aliases={0: 0},
        compiler_params=pltpu.CompilerParams(
            dimension_semantics=("parallel", "parallel"),
        ),
    )(out1, x, seq_rows)
    return out

# --- scband reference (transcript-rebuilt; emitter-appended) ---
"""Pipeline reference for scband-temporal-positional-encoding-3951369912473 (READ-ONLY COPY).

The authoritative reference and input builder live on the scoring server;
editing this copy changes nothing except your own understanding.
"""

import jax, jax.numpy as jnp
import numpy as np

D_MODEL = 768
MAX_SEQ = 8
GRID = 64
TD = D_MODEL // 3
SD = D_MODEL // 3
QD = D_MODEL - TD - SD


def _build_params():
    temporal = np.zeros((MAX_SEQ, TD), dtype=np.float32)
    t = np.arange(MAX_SEQ, dtype=np.float64)
    for i in range(0, TD - 1, 2):
        freq = 1.0 / 10000 ** (i / TD)
        temporal[:, i] = np.sin(t * freq)
        if i + 1 < TD:
            temporal[:, i + 1] = np.cos(t * freq)
    spatial = np.zeros((GRID, GRID, SD), dtype=np.float32)
    h = np.arange(GRID, dtype=np.float64)[:, None]
    w = np.arange(GRID, dtype=np.float64)[None, :]
    for i in range(0, SD - 1, 2):
        freq = 1.0 / 10000 ** (i / SD)
        spatial[:, :, i] = np.broadcast_to(np.sin(h * freq), (GRID, GRID))
        if i + 1 < SD:
            spatial[:, :, i + 1] = np.broadcast_to(np.cos(w * freq), (GRID, GRID))
    seqp = np.zeros((64, QD), dtype=np.float32)
    p = np.arange(64, dtype=np.float64)
    for i in range(0, QD - 1, 2):
        freq = 1.0 / 10000 ** (i / QD)
        seqp[:, i] = np.sin(p * freq * 0.1)
        if i + 1 < QD:
            seqp[:, i + 1] = np.cos(p * freq * 0.1)
    return temporal, spatial, seqp


def setup_inputs(seed: int = 0) -> dict:
    key = jax.random.key(seed)
    k1, k2 = jax.random.split(key)
    B, H, W = 16, 64, 64
    x = jax.random.normal(k1, (B, H, W, D_MODEL), dtype=jnp.float32)
    sequence_pattern = jax.random.randint(k2, (B,), 0, 64)
    tpe, spe, qpe = _build_params()
    return {
        "x": x,
        "temporal_step": 3,
        "sequence_pattern": sequence_pattern,
        "temporal_pe": jnp.asarray(tpe),
        "spatial_pe": jnp.asarray(spe),
        "sequence_pe": jnp.asarray(qpe),
    }


def reference(x, temporal_step, sequence_pattern, temporal_pe, spatial_pe, sequence_pe):
    B, H, W, d_model = x.shape
    temporal_enc = jnp.broadcast_to(temporal_pe[temporal_step][None, None, None, :], (B, H, W, TD))
    spatial_enc = jnp.broadcast_to(spatial_pe[:H, :W, :][None, :, :, :], (B, H, W, SD))
    pattern_idx = sequence_pattern % 64
    seq_rows = jnp.take(sequence_pe, pattern_idx, axis=0)  # [B, QD]
    seq_enc = jnp.broadcast_to(seq_rows[:, None, None, :], (B, H, W, QD))
    combined_pe = jnp.concatenate([temporal_enc, spatial_enc, seq_enc], axis=-1)
    return x + combined_pe

if __name__ == "__main__":
    import jax
    _d = setup_inputs()
    print(jax.jit(kernel)(*tuple(_d.values())))

</pallas_src>

<mosaic_0001>
#map = affine_map<(d0, d1) -> (0)>
#map1 = affine_map<(d0, d1) -> (0, 0)>
#map2 = affine_map<(d0, d1) -> (0, 0, 0)>
module attributes {stable_mosaic.version = 14 : i64} {
  func.func @gather(%arg0: i32, %arg1: i32, %arg2: memref<16xi32, #tpu.memory_space<hbm>>, %arg3: memref<64x256xf32, #tpu.memory_space<hbm>>, %arg4: memref<16x1x256xf32, #tpu.memory_space<hbm>>, %arg5: memref<16xi32, #tpu.memory_space<vmem>>, %arg6: memref<16x256xf32, #tpu.memory_space<vmem>>, %arg7: memref<!tpu.dma_semaphore, #tpu.memory_space<semaphore_mem>>) attributes {dimension_semantics = [#tpu.dimension_semantics<core_parallel>, #tpu.dimension_semantics<subcore_parallel>], iteration_bounds = array<i64: 1, 16>, scalar_prefetch = 0 : i64, scratch_operands = 3 : i64, tpu.core_type = #tpu.core_type<sc_vector_subcore>, window_params = [{transform_indices = #map}, {transform_indices = #map1}, {transform_indices = #map2}]} {
    %eq3A = arith.constant 0 : i32
    %eq3A_0 = arith.cmpi eq, %arg1, %eq3A : i32
    %convert_element_type3A = arith.extui %eq3A_0 : i1 to i32
    %cond3A = arith.constant 0 : i32
    %cond3A_1 = arith.cmpi ne, %convert_element_type3A, %cond3A : i32
    scf.if %cond3A_1 {
      "tpu.region"() ({
        %run_scoped3A_13 = tpu.sem_alloc : memref<!tpu.dma_semaphore, #tpu.memory_space<semaphore_mem>>
        tpu.enqueue_dma source(%arg2 : memref<16xi32, #tpu.memory_space<hbm>>) target(%arg5 : memref<16xi32, #tpu.memory_space<vmem>>) target_semaphore(%run_scoped3A_13 : memref<!tpu.dma_semaphore, #tpu.memory_space<semaphore_mem>>)
        tpu.wait_dma2 semaphore(%run_scoped3A_13 : memref<!tpu.dma_semaphore, #tpu.memory_space<semaphore_mem>>) src(%arg2 : memref<16xi32, #tpu.memory_space<hbm>>) dst(%arg5 : memref<16xi32, #tpu.memory_space<vmem>>)
        tpu.yield
      }) : () -> ()
      %get3A = arith.constant 0 : index
      %get3A_2 = tpu.vector_load %arg5[%get3A] {strides = array<i32>} : memref<16xi32, #tpu.memory_space<vmem>>, vector<16xi32>,
      %get3A_3 = vector.shape_cast %get3A_2 : vector<16xi32> to vector<16xi32>
      %rem3A = arith.constant 64 : i32
      %rem3A_4 = vector.broadcast %rem3A : i32 to vector<16xi32>
      %rem3A_5 = arith.remsi %get3A_3, %rem3A_4 : vector<16xi32>
      %swap3A = arith.constant 0 : index
      %swap3A_6 = tpu.vector_load %arg5[%swap3A] {strides = array<i32>} : memref<16xi32, #tpu.memory_space<vmem>>, vector<16xi32>,
      %swap3A_7 = vector.shape_cast %swap3A_6 : vector<16xi32> to vector<16xi32>
      %swap3A_8 = vector.shape_cast %rem3A_5 : vector<16xi32> to vector<16xi32>
      tpu.vector_store %arg5[%swap3A], %swap3A_8 {strides = array<i32>} : memref<16xi32, #tpu.memory_space<vmem>>, vector<16xi32>,
      %dma_start3A = arith.constant 0 : i32
      %dma_start3A_9 = arith.constant 0 : i32
      %dma_start3A_10 = tpu.memref_slice %arg3[%dma_start3A, %dma_start3A_9] : memref<64x256xf32, #tpu.memory_space<hbm>> -> memref<64x256xf32, #tpu.memory_space<hbm>>
      tpu.enqueue_indirect_dma source(%dma_start3A_10 : memref<64x256xf32, #tpu.memory_space<hbm>>) target(%arg6 : memref<16x256xf32, #tpu.memory_space<vmem>>) offsets(%arg5 : memref<16xi32, #tpu.memory_space<vmem>>) semaphore(%arg7 : memref<!tpu.dma_semaphore, #tpu.memory_space<semaphore_mem>>)
      %dma_wait3A = arith.constant 0 : i32
      %dma_wait3A_11 = arith.constant 0 : i32
      %dma_wait3A_12 = tpu.memref_slice %arg3[%dma_wait3A, %dma_wait3A_11] : memref<64x256xf32, #tpu.memory_space<hbm>> -> memref<64x256xf32, #tpu.memory_space<hbm>>
      tpu.wait_indirect_dma semaphore(%arg7 : memref<!tpu.dma_semaphore, #tpu.memory_space<semaphore_mem>>) src(%dma_wait3A_12 : memref<64x256xf32, #tpu.memory_space<hbm>>) dst(%arg6 : memref<16x256xf32, #tpu.memory_space<vmem>>)
      %run_scoped3A = arith.constant 0 : i32
      "tpu.region"() ({
        %run_scoped3A_13 = tpu.sem_alloc : memref<!tpu.dma_semaphore, #tpu.memory_space<semaphore_mem>>
        %dma_start3A_14 = arith.constant 0 : i32
        %dma_start3A_15 = arith.constant 0 : i32
        %dma_start3A_16 = tpu.memref_slice %arg4[%dma_start3A_14, %run_scoped3A, %dma_start3A_15] : memref<16x1x256xf32, #tpu.memory_space<hbm>> -> memref<16x1x256xf32, #tpu.memory_space<hbm>>
        %dma_start3A_17 = tpu.memref_squeeze %dma_start3A_16 : memref<16x1x256xf32, #tpu.memory_space<hbm>> -> memref<16x256xf32, #tpu.memory_space<hbm>>
        %dma_start3A_18 = arith.constant 0 : i32
        %dma_start3A_19 = arith.constant 0 : i32
        %dma_start3A_20 = tpu.memref_slice %arg4[%dma_start3A_18, %run_scoped3A, %dma_start3A_19] : memref<16x1x256xf32, #tpu.memory_space<hbm>> -> memref<16x1x256xf32, #tpu.memory_space<hbm>>
        %dma_start3A_21 = tpu.memref_squeeze %dma_start3A_20 : memref<16x1x256xf32, #tpu.memory_space<hbm>> -> memref<16x256xf32, #tpu.memory_space<hbm>>
        tpu.enqueue_dma source(%arg6 : memref<16x256xf32, #tpu.memory_space<vmem>>) target(%dma_start3A_21 : memref<16x256xf32, #tpu.memory_space<hbm>>) target_semaphore(%run_scoped3A_13 : memref<!tpu.dma_semaphore, #tpu.memory_space<semaphore_mem>>)
        %dma_wait3A_22 = arith.constant 0 : i32
        %dma_wait3A_23 = arith.constant 0 : i32
        %dma_wait3A_24 = tpu.memref_slice %arg4[%dma_wait3A_22, %run_scoped3A, %dma_wait3A_23] : memref<16x1x256xf32, #tpu.memory_space<hbm>> -> memref<16x1x256xf32, #tpu.memory_space<hbm>>
        %dma_wait3A_25 = tpu.memref_squeeze %dma_wait3A_24 : memref<16x1x256xf32, #tpu.memory_space<hbm>> -> memref<16x256xf32, #tpu.memory_space<hbm>>
        %dma_wait3A_26 = arith.constant 0 : i32
        %dma_wait3A_27 = arith.constant 0 : i32
        %dma_wait3A_28 = tpu.memref_slice %arg4[%dma_wait3A_26, %run_scoped3A, %dma_wait3A_27] : memref<16x1x256xf32, #tpu.memory_space<hbm>> -> memref<16x1x256xf32, #tpu.memory_space<hbm>>
        %dma_wait3A_29 = tpu.memref_squeeze %dma_wait3A_28 : memref<16x1x256xf32, #tpu.memory_space<hbm>> -> memref<16x256xf32, #tpu.memory_space<hbm>>
        tpu.wait_dma2 semaphore(%run_scoped3A_13 : memref<!tpu.dma_semaphore, #tpu.memory_space<semaphore_mem>>) src(%arg6 : memref<16x256xf32, #tpu.memory_space<vmem>>) dst(%dma_wait3A_29 : memref<16x256xf32, #tpu.memory_space<hbm>>)
        tpu.yield
      }) : () -> ()
    } else {
    }
    return
  }
}

module attributes {stable_mosaic.version = 14 : i64} {
  func.func @_body1(%arg0: i32, %arg1: i32, %arg2: memref<1xi32, #tpu.memory_space<smem>>, %arg3: memref<1x64x64x512xf32, #tpu.memory_space<vmem>>, %arg4: memref<8x256xf32, #tpu.memory_space<vmem>>, %arg5: memref<64x64x256xf32, #tpu.memory_space<vmem>>, %arg6: memref<1x64x64x512xf32, #tpu.memory_space<vmem>>) attributes {dimension_semantics = [#tpu.dimension_semantics<parallel>, #tpu.dimension_semantics<parallel>], iteration_bounds = array<i64: 1, 16>, scalar_prefetch = 1 : i64, scratch_operands = 0 : i64, tpu.core_type = #tpu.core_type<tc>, window_params = [{transform_indices = @transform_0, window_bounds = array<i64: 1, 64, 64, 512>}, {pipeline_mode = #tpu.pipeline_mode<synchronous>, transform_indices = @transform_1, window_bounds = array<i64: 8, 256>}, {transform_indices = @transform_2, window_bounds = array<i64: 64, 64, 256>}, {transform_indices = @transform_3, window_bounds = array<i64: 1, 64, 64, 512>}]} {
    %get3A = arith.constant 0 : index
    %get3A_0 = memref.load %arg2[%get3A] : memref<1xi32, #tpu.memory_space<smem>>
    %get3A_1 = arith.index_cast %get3A_0 : i32 to index
    %get3A_2 = arith.constant 0 : index
    %get3A_3 = vector.load %arg4[%get3A_1, %get3A_2] : memref<8x256xf32, #tpu.memory_space<vmem>>, vector<1x256xf32>
    %get3A_4 = vector.shape_cast %get3A_3 : vector<1x256xf32> to vector<256xf32>
    %get3A_5 = arith.constant 0 : index
    %get3A_6 = arith.constant 0 : index
    %get3A_7 = arith.constant 0 : index
    %get3A_8 = arith.constant 0 : index
    %get3A_9 = vector.load %arg3[%get3A_5, %get3A_6, %get3A_7, %get3A_8] : memref<1x64x64x512xf32, #tpu.memory_space<vmem>>, vector<1x64x64x256xf32>
    %broadcast_in_dim3A = vector.shape_cast %get3A_4 : vector<256xf32> to vector<1x1x1x256xf32>
    %add3A = vector.broadcast %broadcast_in_dim3A : vector<1x1x1x256xf32> to vector<1x64x64x256xf32>
    %add3A_10 = arith.addf %get3A_9, %add3A : vector<1x64x64x256xf32>
    %swap3A = arith.constant 0 : index
    %swap3A_11 = arith.constant 0 : index
    %swap3A_12 = arith.constant 0 : index
    %swap3A_13 = arith.constant 0 : index
    %swap3A_14 = vector.load %arg6[%swap3A, %swap3A_11, %swap3A_12, %swap3A_13] : memref<1x64x64x512xf32, #tpu.memory_space<vmem>>, vector<1x64x64x256xf32>
    tpu.vector_store %arg6[%swap3A, %swap3A_11, %swap3A_12, %swap3A_13], %add3A_10 {strides = array<i32>} : memref<1x64x64x512xf32, #tpu.memory_space<vmem>>, vector<1x64x64x256xf32>,
    %get3A_15 = arith.constant 0 : index
    %get3A_16 = arith.constant 0 : index
    %get3A_17 = arith.constant 0 : index
    %get3A_18 = arith.constant 256 : index
    %get3A_19 = vector.load %arg3[%get3A_15, %get3A_16, %get3A_17, %get3A_18] : memref<1x64x64x512xf32, #tpu.memory_space<vmem>>, vector<1x64x64x256xf32>
    %get3A_20 = arith.constant 0 : index
    %get3A_21 = arith.constant 0 : index
    %get3A_22 = arith.constant 0 : index
    %get3A_23 = vector.load %arg5[%get3A_20, %get3A_21, %get3A_22] : memref<64x64x256xf32, #tpu.memory_space<vmem>>, vector<64x64x256xf32>
    %broadcast_in_dim3A_24 = vector.shape_cast %get3A_23 : vector<64x64x256xf32> to vector<1x64x64x256xf32>
    %add3A_25 = arith.addf %get3A_19, %broadcast_in_dim3A_24 : vector<1x64x64x256xf32>
    %swap3A_26 = arith.constant 0 : index
    %swap3A_27 = arith.constant 0 : index
    %swap3A_28 = arith.constant 0 : index
    %swap3A_29 = arith.constant 256 : index
    %swap3A_30 = vector.load %arg6[%swap3A_26, %swap3A_27, %swap3A_28, %swap3A_29] : memref<1x64x64x512xf32, #tpu.memory_space<vmem>>, vector<1x64x64x256xf32>
    tpu.vector_store %arg6[%swap3A_26, %swap3A_27, %swap3A_28, %swap3A_29], %add3A_25 {strides = array<i32>} : memref<1x64x64x512xf32, #tpu.memory_space<vmem>>, vector<1x64x64x256xf32>,
    return
  }
  func.func @transform_0(%arg0: i32, %arg1: i32, %arg2: memref<1xi32, #tpu.memory_space<smem>>) -> (i32, i32, i32, i32) {
    %c0_i32 = arith.constant 0 : i32
    %c0_i32_0 = arith.constant 0 : i32
    %c0_i32_1 = arith.constant 0 : i32
    return %arg1, %arg0, %c0_i32, %c0_i32_0 : i32, i32, i32, i32
  }
  func.func @transform_1(%arg0: i32, %arg1: i32, %arg2: memref<1xi32, #tpu.memory_space<smem>>) -> (i32, i32) {
    %c0_i32 = arith.constant 0 : i32
    %c0_i32_0 = arith.constant 0 : i32
    %c0_i32_1 = arith.constant 0 : i32
    return %c0_i32, %c0_i32_0 : i32, i32
  }
  func.func @transform_2(%arg0: i32, %arg1: i32, %arg2: memref<1xi32, #tpu.memory_space<smem>>) -> (i32, i32, i32) {
    %c0_i32 = arith.constant 0 : i32
    %c0_i32_0 = arith.constant 0 : i32
    %c0_i32_1 = arith.constant 0 : i32
    return %arg0, %c0_i32, %c0_i32_0 : i32, i32, i32
  }
  func.func @transform_3(%arg0: i32, %arg1: i32, %arg2: memref<1xi32, #tpu.memory_space<smem>>) -> (i32, i32, i32, i32) {
    %c0_i32 = arith.constant 0 : i32
    %c0_i32_0 = arith.constant 0 : i32
    %c0_i32_1 = arith.constant 0 : i32
    return %arg1, %arg0, %c0_i32, %c0_i32_0 : i32, i32, i32, i32
  }
}

module attributes {stable_mosaic.version = 14 : i64} {
  func.func @_body2(%arg0: i32, %arg1: i32, %arg2: memref<16x64x64x768xf32, #tpu.memory_space<any>>, %arg3: memref<1x64x64x256xf32, #tpu.memory_space<vmem>>, %arg4: memref<1x1x256xf32, #tpu.memory_space<vmem>>, %arg5: memref<1x64x64x256xf32, #tpu.memory_space<vmem>>) attributes {dimension_semantics = [#tpu.dimension_semantics<parallel>, #tpu.dimension_semantics<parallel>], iteration_bounds = array<i64: 1, 16>, scalar_prefetch = 0 : i64, scratch_operands = 0 : i64, tpu.core_type = #tpu.core_type<tc>, window_params = [{}, {transform_indices = @transform_1, window_bounds = array<i64: 1, 64, 64, 256>}, {transform_indices = @transform_2, window_bounds = array<i64: 1, 1, 256>}, {transform_indices = @transform_3, window_bounds = array<i64: 1, 64, 64, 256>}]} {
    %get3A = arith.constant 0 : index
    %get3A_0 = arith.constant 0 : index
    %get3A_1 = arith.constant 0 : index
    %get3A_2 = vector.load %arg4[%get3A, %get3A_0, %get3A_1] : memref<1x1x256xf32, #tpu.memory_space<vmem>>, vector<1x1x256xf32>
    %get3A_3 = vector.shape_cast %get3A_2 : vector<1x1x256xf32> to vector<1x256xf32>
    %get3A_4 = arith.constant 0 : index
    %get3A_5 = arith.constant 0 : index
    %get3A_6 = arith.constant 0 : index
    %get3A_7 = arith.constant 0 : index
    %get3A_8 = vector.load %arg3[%get3A_4, %get3A_5, %get3A_6, %get3A_7] : memref<1x64x64x256xf32, #tpu.memory_space<vmem>>, vector<1x64x64x256xf32>
    %broadcast_in_dim3A = vector.shape_cast %get3A_3 : vector<1x256xf32> to vector<1x1x1x256xf32>
    %add3A = vector.broadcast %broadcast_in_dim3A : vector<1x1x1x256xf32> to vector<1x64x64x256xf32>
    %add3A_9 = arith.addf %get3A_8, %add3A : vector<1x64x64x256xf32>
    %swap3A = arith.constant 0 : index
    %swap3A_10 = arith.constant 0 : index
    %swap3A_11 = arith.constant 0 : index
    %swap3A_12 = arith.constant 0 : index
    %swap3A_13 = vector.load %arg5[%swap3A, %swap3A_10, %swap3A_11, %swap3A_12] : memref<1x64x64x256xf32, #tpu.memory_space<vmem>>, vector<1x64x64x256xf32>
    tpu.vector_store %arg5[%swap3A, %swap3A_10, %swap3A_11, %swap3A_12], %add3A_9 {strides = array<i32>} : memref<1x64x64x256xf32, #tpu.memory_space<vmem>>, vector<1x64x64x256xf32>,
    return
  }
  func.func @transform_1(%arg0: i32, %arg1: i32) -> (i32, i32, i32, i32) {
    %c0_i32 = arith.constant 0 : i32
    %c2_i32 = arith.constant 2 : i32
    %c0_i32_0 = arith.constant 0 : i32
    return %arg1, %arg0, %c0_i32, %c2_i32 : i32, i32, i32, i32
  }
  func.func @transform_2(%arg0: i32, %arg1: i32) -> (i32, i32, i32) {
    %c0_i32 = arith.constant 0 : i32
    %c0_i32_0 = arith.constant 0 : i32
    %c0_i32_1 = arith.constant 0 : i32
    return %arg1, %c0_i32, %c0_i32_0 : i32, i32, i32
  }
  func.func @transform_3(%arg0: i32, %arg1: i32) -> (i32, i32, i32, i32) {
    %c0_i32 = arith.constant 0 : i32
    %c2_i32 = arith.constant 2 : i32
    %c0_i32_0 = arith.constant 0 : i32
    return %arg1, %arg0, %c0_i32, %c2_i32 : i32, i32, i32, i32
  }
}

</mosaic_0001>

<sc_bundles>
// kernel: kernel.5.cloned.1.call-start
scs
__scs_entry_jumppad:
0x0: {  	(pc) =	sbr.rel $0x88, $3  }
0x1: {  	(tag) =	ssettag $0x0;
	lr =	simm.s32 $0x1  }
0x2: {  	[smem:$0x3F9B] =	sst lr;
	_ =	strace $0xD0000000  }
0x3: {  	_ = 	snop  }
0x4: {  	_ = 	snop  }
0x5: {  	_ = 	snop  }
0x6: {  	_ = 	snop  }
0x7: {  	_ = 	snop  }
__scs_overlays_trampoline_lowered:
0x8: {  	[smem:$0x3FAA] =	sst s0  }
0x9: {  	[smem:$0x3FAB] =	sst s1  }
0xa: {  	[smem:$0x3FAC] =	sst s2  }
0xb: {  	[smem:$0x3FAD] =	sst s3  }
0xc: {  	[smem:$0x3FAE] =	sst s4  }
0xd: {  	[smem:$0x3FAF] =	sst s5  }
0xe: {  	[smem:$0x3FB0] =	sst s6  }
0xf: {  	[smem:$0x3FB1] =	sst s7  }
0x10: {  	[smem:$0x3FB2] =	sst s8  }
0x11: {  	[smem:$0x3FB3] =	sst s9;
	s0 =	simm.s32 @!p0 $0x0  }
0x12: {  	s1 =	sld [smem:$0x3F99];
	s0 =	simm.s32 @p0 $0x1  }
0x13: {  	[smem:$0x3FB4] =	sst s0;
	s0 =	simm.s32 @!p1 $0x0  }
0x14: {  	s2 =	sld [smem:$0x3F98];
	s0 =	simm.s32 @p1 $0x1  }
0x15: {  	[smem:$0x3FB5] =	sst s0;
	s0 =	simm.s32 @!p2 $0x0  }
0x16: {  	s3 =	sld [smem:$0x3FDB];
	s0 =	simm.s32 @p2 $0x1  }
0x17: {  	s4 =	simm.s32 $0x1BF5;
	[smem:$0x3FB7] =	sst s0  }
0x18: {  	s0 =	sld [smem:$0x3F9A];
	_ =	swait.ge [sflag:s4], $0x0  }
0x19: {  	s7 =	sld [smem:$0x3F9B]  }
0x1a: {  	s8 =	sadd.s32 $0xFFFFE003, lr  }
0x1b: {  	s9 =	sadd.s32 $0xFFFFFEF7, lr;
	s5 =	simm.s32 $0xFFFFFFFF;
	p2 =	slt.u32 s8, $0xFFFFF086  }
0x1c: {  	p1 =	slt.u32 s9, $0xF7A;
	s5 =	simm.s32 @!p2 $0x0  }
0x1d: {  	s5 =	simm.s32 @p1 $0x1;
	p0 =	seq.s32 s7, s2  }
0x1e: {  	s7 =	smul.u32 @!p0 $0xF7A, s2;
	p2 =	seq.s32 @!p0 s5, $0x0  }
0x1f: {  	s9 =	smul.u32 $0xF7A, s1;
	s8 =	simm.s32 @!p0 $0x1BF5;
	p2 =	por !p2, p0  }
0x20: {  	[sflag:s8] =	ssyncset.s32 @!p0 $0xFFFFF086;
	s6 =	sadd.s32 @!p0 s3, s7;
	s7 =	simm.s32 @!p0 $0x108  }
0x21: {  	s3 =	sadd.s32 s3, s9;
	s6 =	sadd.s32 @!p0 $0x88, s6;
	s7 =	simm.s32 @p2 $0x1082  }
0x22: {  	[simem:s7], [sflag:s8] =	dma.local @!p0 [hbm:s6], $0xF7A  }
0x23: {  	s9 =	sor.u32 $0xD0000000, s2;
	s6 =	simm.s32 $0x108;
	_ =	swait.ge @!p0 [sflag:s8], $0x0  }
0x24: {  	s3 =	sadd.s32 $0x88, s3;
	s6 =	simm.s32 @!p1 $0x1082;
	[sflag:s4] =	ssyncset.s32 $0xFFFFF086  }
0x25: {  	[simem:s6], [sflag:s4] =	dma.local [hbm:s3], $0xF7A  }
0x26: {  	[smem:$0x3F9B] =	sst s1;
	(tag) =	ssettag s2;
	_ =	strace s9  }
0x27: {  	s1 =	sld [smem:$0x3FAB]  }
0x28: {  	s2 =	sld [smem:$0x3FAC]  }
0x29: {  	s4 =	sld [smem:$0x3FAE]  }
0x2a: {  	p0 =	seq.s32 s5, $0x0;
	s5 =	sld [smem:$0x3FAF]  }
0x2b: {  	s6 =	sld [smem:$0x3FB0]  }
0x2c: {  	s7 =	sld [smem:$0x3FB1]  }
0x2d: {  	s3 =	simm.s32 $0x108;
	s8 =	sld [smem:$0x3FB2]  }
0x2e: {  	s3 =	simm.s32 @!p0 $0x1082;
	s9 =	sld [smem:$0x3FB3]  }
0x2f: {  	lr =	sadd.s32 s0, s3;
	s0 =	sld [smem:$0x3FAA]  }
0x30: {  	s3 =	sld [smem:$0x3FAD]  }
0x31: {  	[smem:$0x3FB6] =	sst s10  }
0x32: {  	s10 =	sld [smem:$0x3FB4];
	_ =	sdelay $0x3  }
0x33: {  	p0 =	seq.s32 s10, $0x1;
	s10 =	sld [smem:$0x3FB6];
	_ =	sdelay $0x3  }
0x34: {  	[smem:$0x3FB6] =	sst s10  }
0x35: {  	s10 =	sld [smem:$0x3FB5];
	_ =	sdelay $0x3  }
0x36: {  	p1 =	seq.s32 s10, $0x1;
	s10 =	sld [smem:$0x3FB6];
	_ =	sdelay $0x3  }
0x37: {  	[smem:$0x3FB6] =	sst s10  }
0x38: {  	s10 =	sld [smem:$0x3FB7]  }
0x39: {  	_ = 	snop;
	(pc) =	sbr.ind lr, $3  }
0x3a: {  	_ = 	snop  }
0x3b: {  	_ = 	snop  }
0x3c: {  	p2 =	seq.s32 s10, $0x1;
	s10 =	sld [smem:$0x3FB6]  }
0x3d: {  	_ =	shalt  }
0x3e: {  	_ =	shalt  }
0x3f: {  	_ =	shalt  }
0x40: {  	_ =	shalt  }
0x41: {  	_ =	shalt  }
0x42: {  	_ =	shalt  }
0x43: {  	_ =	shalt  }
0x44: {  	_ =	shalt  }
0x45: {  	_ =	shalt  }
0x46: {  	_ =	shalt  }
0x47: {  	_ =	shalt  }
0x48: {  	_ =	shalt  }
0x49: {  	_ =	shalt  }
0x4a: {  	_ =	shalt  }
0x4b: {  	_ =	shalt  }
0x4c: {  	_ =	shalt  }
0x4d: {  	_ =	shalt  }
0x4e: {  	_ =	shalt  }
0x4f: {  	_ =	shalt  }
0x50: {  	_ =	shalt  }
0x51: {  	_ =	shalt  }
0x52: {  	_ =	shalt  }
0x53: {  	_ =	shalt  }
0x54: {  	_ =	shalt  }
0x55: {  	_ =	shalt  }
0x56: {  	_ =	shalt  }
0x57: {  	_ =	shalt  }
0x58: {  	_ =	shalt  }
0x59: {  	_ =	shalt  }
0x5a: {  	_ =	shalt  }
0x5b: {  	_ =	shalt  }
0x5c: {  	_ =	shalt  }
0x5d: {  	_ =	shalt  }
0x5e: {  	_ =	shalt  }
0x5f: {  	_ =	shalt  }
0x60: {  	_ =	shalt  }
0x61: {  	_ =	shalt  }
0x62: {  	_ =	shalt  }
0x63: {  	_ =	shalt  }
0x64: {  	_ =	shalt  }
0x65: {  	_ =	shalt  }
0x66: {  	_ =	shalt  }
0x67: {  	_ =	shalt  }
0x68: {  	_ =	shalt  }
0x69: {  	_ =	shalt  }
0x6a: {  	_ =	shalt  }
0x6b: {  	_ =	shalt  }
0x6c: {  	_ =	shalt  }
0x6d: {  	_ =	shalt  }
0x6e: {  	_ =	shalt  }
0x6f: {  	_ =	shalt  }
0x70: {  	_ =	shalt  }
0x71: {  	_ =	shalt  }
0x72: {  	_ =	shalt  }
0x73: {  	_ =	shalt  }
0x74: {  	_ =	shalt  }
0x75: {  	_ =	shalt  }
0x76: {  	_ =	shalt  }
0x77: {  	_ =	shalt  }
0x78: {  	_ =	shalt  }
0x79: {  	_ =	shalt  }
0x7a: {  	_ =	shalt  }
0x7b: {  	_ =	shalt  }
0x7c: {  	_ =	shalt  }
0x7d: {  	_ =	shalt  }
0x7e: {  	_ =	shalt  }
0x7f: {  	_ =	shalt  }
0x80: {  	_ =	shalt  }
0x81: {  	_ =	shalt  }
0x82: {  	_ =	shalt  }
0x83: {  	_ =	shalt  }
0x84: {  	_ =	shalt  }
0x85: {  	_ =	shalt  }
0x86: {  	_ =	shalt  }
0x87: {  	_ =	shalt  }
.Lfunc_end0:
.L_simem_size_0:
called_computation_lowered:
.L_overlay_start_0:
0x88: {  	s0 =	sld [smem:$0x3FD9]  }
0x89: {  	s1 =	sld [smem:$0x3FFE];
	_ =	sdelay $0x3  }
0x8a: {  	s0 =	sadd.s32 s1, s0  }
0x8b: {  	[smem:$0x3FC2] =	sst s0  }
0x8c: {  	_ = 	snop  }
0x8d: {  	s0 =	sld [smem:$0x3FC7]  }
0x8e: {  	s16 =	sld [smem:$0x3FC4];
	(tm) =	ssettm $0x1  }
0x8f: {  	s2 =	sld [smem:$0x3FFB];
	_ =	sdelay $0x3  }
0x90: {  	_ =	strace s2  }
0x91: {  	s2 =	sld [smem:$0x3FFC];
	_ =	sdelay $0x3  }
0x92: {  	_ =	strace s2  }
0x93: {  	s2 =	sld [smem:$0x3FFD];
	_ =	sdelay $0x3  }
0x94: {  	_ =	strace s2  }
0x95: {  	_ =	strace $0x8FFFFFFF  }
0x96: {  	s17 =	sld [smem:$0x3FDB];
	_ =	sdelay $0x1  }
0x97: {  	s3 =	simm.s32 $_scs_section_size  }
0x98: {  	s4 =	simm.s32 $_size__tile_overlayer_lowered;
	s5 =	simm.s32 $_tile_overlayer_lowered  }
0x99: {  	s20 =	simm.s32 $0x1BFF;
	s19 =	sshll.u32 s5, $0x1;
	s2 =	sadd.s32 s3, s17  }
0x9a: {  	s6 =	simm.s32 $0x0;
	s18 =	sshll.u32 s4, $0x1;
	s4 =	sadd.s32 s19, s2  }
0x9b: {  	[timem:s6], [sflag:s20] =	dma.local [hbm:s4], s18  }
0x9c: {  	_ =	swait.ge [sflag:s20], s18  }
0x9d: {  	s3 =	ssub.s32 $0x0, s18;
	[sflag:s20] =	ssyncset.done $0x0  }
0x9e: {  	[sflag:s20] =	ssyncadd.s32 s3;
	_ =	sdelay $0x1  }
0x9f: {  	s21 =	simm.s32 $0x1B8B  }
0xa0: {  	_ =	swait.ge [sflag:s21], $0x1  }
0xa1: {  	[sflag:s21] =	ssyncset.done $0x0  }
0xa2: {  	s23 =	simm.s32 $0x1B8E;
	s22 =	sld [smem:$0x3FFE];
	[sflag:s21] =	ssyncadd.s32 $0xFFFFFFFF  }
0xa3: {  	s24 =	simm.s32 $execute0_lowered;
	[smem:$0x3FD2] =	sst s23  }
0xa4: {  	s4 =	sshll.u32 s24, $0x1;
	_ =	strace $0x80000046;
	[dreg:$0x1] =	wrdreg $0xFFFFFFFF  }
0xa5: {  	s25 =	simm.s32 $_size_execute0_lowered;
	s2 =	sadd.s32 s2, s4;
	[dreg:$0x0] =	wrdreg $0x0  }
0xa6: {  	s4 =	sshll.u32 s25, $0x1;
	[dreg:$0x2] =	wrdreg s2  }
0xa7: {  	[dreg:$0x3] =	wrdreg s4  }
0xa8: {  	[dreg:$0x4] =	wrdreg $0xC0  }
0xa9: {  	_ =	task [dreg:s6], $0x5FFFF  }
0xaa: {  	[dreg:$0x1] =	wrdreg $0xFFFFFFFF  }
0xab: {  	[dreg:$0x0] =	wrdreg $0x60  }
0xac: {  	[dreg:$0x2] =	wrdreg s0  }
0xad: {  	[dreg:$0x3] =	wrdreg s16  }
0xae: {  	[dreg:$0x4] =	wrdreg s22  }
0xaf: {  	[dreg:$0x5] =	wrdreg $0x9  }
0xb0: {  	_ =	task.clear_ibuf [dreg:s6], $0x6FFFF;
	_ =	strace $0x90000046  }
0xb1: {  	s26 =	simm.s32 $0x9;
	_ =	strace $0x80000048  }
0xb2: {  	_ =	swait.ge [sflag:s26], $0x1  }
0xb3: {  	[sflag:s26] =	ssyncadd.s32 $0xFFFFFFFF  }
0xb4: {  	_ =	strace $0x90000048  }
0xb5: {  	_ =	sfence  }
0xb6: {  	s28 =	sld [smem:$0x0];
	_ =	sdelay $0x1  }
0xb7: {  	s29 =	srdreg.scid  }
0xb8: {  	s30 =	sshll.u32 s29, $0xD;
	s31 =	sshrl.u32 s29, $0x2  }
0xb9: {  	s1 =	sand.u32 $0x1, s29;
	s2 =	sand.u32 $0x4000, s30;
	s0 =	sadd.s32 s31, s28  }
0xba: {  	s1 =	sor.u32 s2, s1;
	s0 =	sshll.u32 s0, $0x11  }
0xbb: {  	s0 =	sor.u32 s0, s1  }
0xbc: {  	s0 =	sadd.s32 $0x8F2B, s0  }
0xbd: {  	[sflag:s0] =	ssyncadd.remote.s32 $0x1  }
0xbe: {  	_ =	sfence.sel $0xFFFF  }
0xbf: {  	[dreg:$0x0] =	wrdreg $0xFFFFFFFF;
	(pc) =	sbr.abs _section_cstart, $3  }
0xc0: {  	[dreg:$0x1] =	wrdreg $0xFFFFFFFF  }
0xc1: {  	_ =	task.clear_ibuf [dreg:s6], $0x2FFFF;
	_ =	strace $0x9FFFFFFF  }
0xc2: {  	(tm) =	ssettm $0x7FFFFFFF  }
0xc3: {  	_ =	shalt  }
tec
execute0_lowered:
.L_overlay_start_1:
0x0: {  	(tag) =	ssettag $0x1  }
0x1: {  	s1 =	rddreg [dreg:$0x0]  }
0x2: {  	s2 =	rddreg [dreg:$0x1]  }
0x3: {  	s3 =	rddreg [dreg:$0x2];
	s4 =	simm.s32 $0x0  }
0x4: {  	s31 =	stileid.u32;
	[smem:$0x7FF] =	sst s4  }
0x5: {  	s0 =	rddreg [dreg:$0x3];
	p0 =	sne.s32 s31, $0x0;
	_ =	strace $0x80000047  }
0x6: {  	_ =	sfence.sel @p0 $0x180000  }
0x7: {  	[bflag:$0x0] =	sbarrier.arrive @p0 $0xFFFF  }
0x8: {  	_ =	strace @p0 $0x90000047  }
0x9: {  	s4 =	simm.s32 @!p0 $0x0;
	[bflag:$0x2] =	sbarrier.arrive @p0 $0xFFFF  }
0xa: {  	[tilespmem:s4], [sflag:$0x2] =	stream.linear.gather @!p0 [hbm4b:s1+s4], $0x80, $0x38;
	[tilespmem:$0x1080] =	vst v63  }
0xb: {  	s1 =	simm.s32 @!p0 $0x2  }
0xc: {  	_ =	swait.ge @!p0 [sflag:s1], $0x80  }
0xd: {  	[sflag:s1] =	ssyncset.done @!p0 $0x0  }
0xe: {  	[sflag:s1] =	ssyncadd.s32 @!p0 $0xFFFFFF80  }
0xf: {  	v0 =	vld @!p0 [tilespmem:$0x0];
	_ =	sdelay $0x4  }
0x10: {  	v1 =	vshra.s32 @!p0 v0, $0x1F  }
0x11: {  	v1 =	vshrl.u32 @!p0 v1, $0x1A  }
0x12: {  	v1 =	vadd.s32 @!p0 v1, v0  }
0x13: {  	v1 =	vshrl.u32 @!p0 v1, $0x6  }
0x14: {  	v1 =	vshll.u32 @!p0 v1, $0x6  }
0x15: {  	v0 =	vsub.s32 @!p0 v0, v1  }
0x16: {  	v1 =	vshll.u32 @!p0 v0, $0x1  }
0x17: {  	v3 =	vlaneseq.u32 @!p0;
	v2 =	vand.u32 @!p0 $0x7, v0;
	v1 =	vand.u32 @!p0 $0xFFFFFFF0, v1  }
0x18: {  	v4 =	vshrl.u32 @!p0 v3, $0x3;
	v1 =	vor.u32 @!p0 v2, v1;
	v2 =	vand.u32 @!p0 $0x7, v3  }
0x19: {  	v4 =	vmul.u32 @!p0 $0x8, v4;
	v2 =	vperm.xlane @!p0 v1, v2  }
0x1a: {  	v3 =	vor.u32 @!p0 $0x8, v3  }
0x1b: {  	v1 =	vperm.xlane @!p0 v1, v3;
	v2 =	vadd.s32 @!p0 v4, v2;
	_ =	sdelay $0x1  }
0x1c: {  	v1 =	vadd.s32 @!p0 v4, v1;
	_ =	sdelay $0x1  }
0x1d: {  	vm0 =	vmmov @!p0 $0xffff;
	s5 =	simm.s32 @!p0 $0x80;
	[tilespmem:$0x0] =	vst @!p0 v0  }
0x1e: {  	[tilespmem:s5], [sflag:$0x1] =	stream.indirect_vreg.gather @!p0 [hbm4b:s2+s4], $0x80, v2, vm0, $0xb8;
	[tilespmem:$0x1080] =	vst v63  }
0x1f: {  	s6 =	simm.s32 @!p0 $0x880  }
0x20: {  	[tilespmem:s6], [sflag:$0x1] =	stream.indirect_vreg.gather @!p0 [hbm4b:s2+s4], $0x80, v1, vm0, $0xb8;
	[tilespmem:$0x1080] =	vst v63  }
0x21: {  	s2 =	simm.s32 @!p0 $0x1  }
0x22: {  	_ =	swait.ge @!p0 [sflag:s2], $0x1000  }
0x23: {  	[sflag:s2] =	ssyncset.done @!p0 $0x0  }
0x24: {  	s3 =	sadd.s32 $0xA00, s3;
	[sflag:s2] =	ssyncadd.s32 @!p0 $0xFFFFF000;
	s2 =	simm.s32 @!p0 $0x100  }
0x25: {  	[hbm4b:s3+s5] =	stream.strided.scatter @!p0 [tilespmem:s5], [sflag:$0x2], $0x400, s2, s5, $0x38;
	[tilespmem:$0x1080] =	vst v63  }
0x26: {  	s7 =	simm.s32 @!p0 $0x480;
	s4 =	sadd.s32 @!p0 $0x10, s3  }
0x27: {  	[hbm4b:s4+s5] =	stream.strided.scatter @!p0 [tilespmem:s7], [sflag:$0x2], $0x400, s2, s5, $0x38;
	[tilespmem:$0x1080] =	vst v63  }
0x28: {  	s4 =	sadd.s32 @!p0 $0x100, s3  }
0x29: {  	[hbm4b:s4+s5] =	stream.strided.scatter @!p0 [tilespmem:s6], [sflag:$0x2], $0x400, s2, s5, $0x38;
	[tilespmem:$0x1080] =	vst v63  }
0x2a: {  	s3 =	sadd.s32 @!p0 $0x110, s3;
	s4 =	simm.s32 @!p0 $0xC80  }
0x2b: {  	[hbm4b:s3+s5] =	stream.strided.scatter @!p0 [tilespmem:s4], [sflag:$0x2], $0x400, s2, s5, $0x38;
	[tilespmem:$0x1080] =	vst v63  }
0x2c: {  	_ =	swait.ge @!p0 [sflag:s1], $0x1000  }
0x2d: {  	[sflag:s1] =	ssyncset.done @!p0 $0x0  }
0x2e: {  	[sflag:s1] =	ssyncadd.s32 @!p0 $0xFFFFF000  }
0x2f: {  	_ =	sfence.sel @!p0 $0x180000  }
0x30: {  	[bflag:$0x0] =	sbarrier.arrive @!p0 $0xFFFF  }
0x31: {  	_ =	strace @!p0 $0x90000047  }
0x32: {  	s0 =	sadd.s32 @!p0 $0x100000, s0;
	[bflag:$0x2] =	sbarrier.arrive @!p0 $0xFFFF  }
0x33: {  	[sflag:s0] =	ssyncadd.tile.s32 @!p0 $0x1;
	_ =	shalt  }
.Lfunc_end2:
_tile_overlayer_lowered:
.L_overlay_start_2:
0x34: {  	(tag) =	ssettag $0x2  }
0x35: {  	s0 =	rddreg [dreg:$0x0];
	s2 =	stileid.u32  }
0x36: {  	s1 =	rddreg [dreg:$0x1];
	p0 =	sne.s32 s2, $0x0  }
0x37: {  	s3 =	rddreg [dreg:$0x2];
	[bflag:$0x3] =	sbarrier.arrive $0xFFFF;
	s2 =	simm.s32 @!p0 $0x1C02  }
0x38: {  	[timem:s3], [sflag:s2] =	dma.local @!p0 [hbm:s0], s1  }
0x39: {  	s0 =	simm.s32 @!p0 $0x2  }
0x3a: {  	_ =	swait.ge @!p0 [sflag:s0], s1  }
0x3b: {  	s1 =	ssub.s32 @!p0 $0x0, s1;
	[sflag:s0] =	ssyncset.done @!p0 $0x0  }
0x3c: {  	[sflag:s0] =	ssyncadd.s32 @!p0 s1  }
0x3d: {  	[bflag:$0x3] =	sbarrier.arrive $0xFFFF  }
0x3e: {  	_ =	shalt  }

</sc_bundles>
